<compile_context>
chip_gen: v7x
topology: tpu7x:2x2x1
jax: 0.10.2.dev20260603
libtpu: 0.0.44.dev20260713+nightly
codegen_flags: <defaults>
</compile_context>

<pallas_src>
import functools

import jax
import jax.numpy as jnp
from jax import lax
from jax.experimental import pallas as pl
from jax.experimental.pallas import tpu as pltpu
from jax.experimental.pallas import tpu_sc as plsc

_N = 1024
_D = 64
_T = 16
_NORM_TEMP = 50.0
_SCALE = 0.1 / 32.0
_KB = 4000
_LOG2E = 1.4426950408889634
_LN2 = 0.6931471805599453

_NW = 32
_PAIRS = _N * _T
_PAIRS_W = _PAIRS // _NW


def _sc_gather_body(ten_hbm, idx_hbm, out_hbm, idx_v, rows_v, sem):
    wid = lax.axis_index("s") * 2 + lax.axis_index("c")
    base = wid * _PAIRS_W
    pltpu.sync_copy(idx_hbm.at[pl.ds(base, _PAIRS_W)], idx_v)
    pltpu.async_copy(ten_hbm.at[idx_v], rows_v, sem).wait()
    pltpu.sync_copy(rows_v, out_hbm.at[pl.ds(base, _PAIRS_W)])


def _sc_gather(ten, idx_flat):
    mesh = plsc.VectorSubcoreMesh(core_axis_name="c", subcore_axis_name="s")
    k = pl.kernel(
        _sc_gather_body,
        out_type=jax.ShapeDtypeStruct((_PAIRS, _D), jnp.float32),
        mesh=mesh,
        compiler_params=pltpu.CompilerParams(use_tc_tiling_on_sc=False),
        scratch_types=[
            pltpu.VMEM((_PAIRS_W,), jnp.int32),
            pltpu.VMEM((_PAIRS_W, _D), jnp.float32),
            pltpu.SemaphoreType.DMA,
        ],
    )
    return k(ten, idx_flat)


def _dense_body(re_ref, te_ref, out_ref, ten_ref, ren_ref):
    pid = pl.program_id(0)

    @pl.when(pid == 0)
    def _init():
        re = re_ref[...]
        ss = jnp.sum(re * re, axis=1, keepdims=True)
        inv = (_NORM_TEMP * _LOG2E) * lax.rsqrt(jnp.maximum(ss, 1e-24))
        ren_ref[...] = (re * inv).astype(jnp.bfloat16)
        out_ref[0, 0] = 0.0

    te = te_ref[...]
    ss_t = jnp.sum(te * te, axis=1, keepdims=True)
    tn = te * lax.rsqrt(jnp.maximum(ss_t, 1e-24))
    te_n = tn.astype(jnp.bfloat16)
    ten_ref[...] = tn
    s2 = lax.dot_general(ren_ref[...], te_n, (((1,), (1,)), ((), ())),
                         preferred_element_type=jnp.float32)
    ep = 1.0 + jnp.exp2(jnp.minimum(s2, 62.0))
    out_ref[0, 0] += jnp.sum(jnp.log2(ep[:, :_KB // 2] * ep[:, _KB // 2:]))


def _dense_pass(region_embeddings, tag_embeddings):
    n_blocks = tag_embeddings.shape[0] // _KB
    raw, ten = pl.pallas_call(
        _dense_body,
        grid=(n_blocks,),
        in_specs=[
            pl.BlockSpec((_N, _D), lambda i: (0, 0)),
            pl.BlockSpec((_KB, _D), lambda i: (i, 0)),
        ],
        out_specs=[
            pl.BlockSpec(memory_space=pltpu.SMEM),
            pl.BlockSpec((_KB, _D), lambda i: (i, 0)),
        ],
        out_shape=[
            jax.ShapeDtypeStruct((1, 1), jnp.float32),
            jax.ShapeDtypeStruct((_KB * n_blocks, _D), jnp.float32),
        ],
        scratch_shapes=[pltpu.VMEM((_N, _D), jnp.bfloat16)],
        compiler_params=pltpu.CompilerParams(
            dimension_semantics=("arbitrary",),
        ),
    )(region_embeddings, tag_embeddings)
    return raw, ten


def _finish_body(re_ref, g_ref, m_ref, raw_ref, out_ref):
    re = re_ref[...]
    ss_re = jnp.sum(re * re, axis=1, keepdims=True)
    inv_re = lax.rsqrt(jnp.maximum(ss_re, 1e-24))
    lbl = jnp.zeros((), jnp.float32)
    for t in range(_T):
        gt = g_ref[pl.ds(_N * t, _N), :]
        dt = jnp.sum(gt * re, axis=1, keepdims=True)
        lbl = lbl + jnp.sum(m_ref[:, t:t + 1] * dt * inv_re)
    out_ref[0, 0] = (raw_ref[0, 0] * _LN2 - _NORM_TEMP * lbl) * _SCALE


def _finish(region_embeddings, g, mask, raw):
    out = pl.pallas_call(
        _finish_body,
        in_specs=[
            pl.BlockSpec((_N, _D), lambda: (0, 0)),
            pl.BlockSpec((_PAIRS, _D), lambda: (0, 0)),
            pl.BlockSpec((_N, _T), lambda: (0, 0)),
            pl.BlockSpec(memory_space=pltpu.SMEM),
        ],
        out_specs=pl.BlockSpec(memory_space=pltpu.SMEM),
        out_shape=jax.ShapeDtypeStruct((1, 1), jnp.float32),
    )(region_embeddings, g, mask, raw)
    return out[0, 0]


def kernel(region_embeddings, tag_embeddings, tags):
    idx_flat = tags.T.reshape(-1)
    t = jnp.arange(_T)
    eq = (tags[:, :, None] == tags[:, None, :]) & (t[None, None, :] < t[None, :, None])
    mask = jnp.where(jnp.any(eq, axis=-1), 0.0, 1.0).astype(jnp.float32)

    raw, ten = _dense_pass(region_embeddings, tag_embeddings)
    g = _sc_gather(ten, idx_flat)
    return _finish(region_embeddings, g, mask, raw)

# --- scband reference (transcript-rebuilt; emitter-appended) ---
"""Pipeline reference for scband-detic-tags-69458211111232 (READ-ONLY COPY).

The authoritative reference and input builder live on the scoring server;
editing this copy changes nothing except your own understanding.
"""

import jax, jax.numpy as jnp
import numpy as np

N = 1024
K = 100000
D = 64
T = 16


def setup_inputs(seed: int = 0) -> dict:
    key = jax.random.key(seed)
    k1, k2, k3 = jax.random.split(key, 3)
    region_embeddings = jax.random.normal(k1, (N, D), dtype=jnp.float32)
    tag_embeddings = jax.random.normal(k2, (K, D), dtype=jnp.float32)
    tags = jax.random.randint(k3, (N, T), 0, K)
    return {"region_embeddings": region_embeddings, "tag_embeddings": tag_embeddings, "tags": tags}


def _normalize(x, eps=1e-12):
    n = jnp.linalg.norm(x, axis=-1, keepdims=True)
    return x / jnp.maximum(n, eps)


def reference(region_embeddings, tag_embeddings, tags):
    norm_temp = 50.0
    bce_bias = 0.0
    tag_neg_weight = 1.0
    base_batch_size = 32
    tag_weight = 0.1
    # tag embeddings are L2-normalized in __init__ (registered buffer)
    te = _normalize(tag_embeddings)
    # get_losses: normalize region embeddings, scaled cosine similarity
    re = _normalize(region_embeddings)
    sim = norm_temp * (re @ te.T) + bce_bias
    n_rows = sim.shape[0]
    # build multi-hot label matrix: label_matrix[i][tags_i] = 1.0 (scatter-set)
    rows = jnp.arange(n_rows)[:, None]
    label = jnp.zeros_like(sim).at[rows, tags].set(1.0)
    # binary_cross_entropy_with_logits, reduction='none'
    loss = jnp.maximum(sim, 0.0) - sim * label + jnp.log1p(jnp.exp(-jnp.abs(sim)))
    loss = loss * label + tag_neg_weight * loss * (1.0 - label)
    loss = loss.sum(-1).mean()
    loss = loss * (n_rows / base_batch_size)
    return loss * tag_weight

if __name__ == "__main__":
    import jax
    _d = setup_inputs()
    print(jax.jit(kernel)(*tuple(_d.values())))

</pallas_src>

<mosaic_0001>
#map = affine_map<(d0, d1) -> (0, 0)>
#map1 = affine_map<(d0, d1) -> (0)>
module attributes {stable_mosaic.version = 14 : i64} {
  func.func @_sc_gather_body(%arg0: i32, %arg1: i32, %arg2: memref<100000x64xf32, #tpu.memory_space<hbm>>, %arg3: memref<16384xi32, #tpu.memory_space<hbm>>, %arg4: memref<16384x64xf32, #tpu.memory_space<hbm>>, %arg5: memref<512xi32, #tpu.memory_space<vmem>>, %arg6: memref<512x64xf32, #tpu.memory_space<vmem>>, %arg7: memref<!tpu.dma_semaphore, #tpu.memory_space<semaphore_mem>>) attributes {dimension_semantics = [#tpu.dimension_semantics<core_parallel>, #tpu.dimension_semantics<subcore_parallel>], iteration_bounds = array<i64: 2, 16>, scalar_prefetch = 0 : i64, scratch_operands = 3 : i64, tpu.core_type = #tpu.core_type<sc_vector_subcore>, window_params = [{transform_indices = #map}, {transform_indices = #map1}, {transform_indices = #map}]} {
    %mul3A = arith.constant 2 : i32
    %mul3A_0 = arith.muli %arg1, %mul3A : i32
    %add3A = arith.addi %mul3A_0, %arg0 : i32
    %mul3A_1 = arith.constant 512 : i32
    %mul3A_2 = arith.muli %add3A, %mul3A_1 : i32
    "tpu.region"() ({
      %run_scoped3A = tpu.sem_alloc : memref<!tpu.dma_semaphore, #tpu.memory_space<semaphore_mem>>
      %dma_start3A_7 = tpu.memref_slice %arg3[%mul3A_2] : memref<16384xi32, #tpu.memory_space<hbm>> -> memref<512xi32, #tpu.memory_space<hbm>>
      %dma_start3A_8 = tpu.memref_slice %arg3[%mul3A_2] : memref<16384xi32, #tpu.memory_space<hbm>> -> memref<512xi32, #tpu.memory_space<hbm>>
      tpu.enqueue_dma source(%dma_start3A_8 : memref<512xi32, #tpu.memory_space<hbm>>) target(%arg5 : memref<512xi32, #tpu.memory_space<vmem>>) target_semaphore(%run_scoped3A : memref<!tpu.dma_semaphore, #tpu.memory_space<semaphore_mem>>)
      %dma_wait3A_9 = tpu.memref_slice %arg3[%mul3A_2] : memref<16384xi32, #tpu.memory_space<hbm>> -> memref<512xi32, #tpu.memory_space<hbm>>
      %dma_wait3A_10 = tpu.memref_slice %arg3[%mul3A_2] : memref<16384xi32, #tpu.memory_space<hbm>> -> memref<512xi32, #tpu.memory_space<hbm>>
      tpu.wait_dma2 semaphore(%run_scoped3A : memref<!tpu.dma_semaphore, #tpu.memory_space<semaphore_mem>>) src(%dma_wait3A_10 : memref<512xi32, #tpu.memory_space<hbm>>) dst(%arg5 : memref<512xi32, #tpu.memory_space<vmem>>)
      tpu.yield
    }) : () -> ()
    %dma_start3A = arith.constant 0 : i32
    %dma_start3A_3 = arith.constant 0 : i32
    %dma_start3A_4 = tpu.memref_slice %arg2[%dma_start3A, %dma_start3A_3] : memref<100000x64xf32, #tpu.memory_space<hbm>> -> memref<100000x64xf32, #tpu.memory_space<hbm>>
    tpu.enqueue_indirect_dma source(%dma_start3A_4 : memref<100000x64xf32, #tpu.memory_space<hbm>>) target(%arg6 : memref<512x64xf32, #tpu.memory_space<vmem>>) offsets(%arg5 : memref<512xi32, #tpu.memory_space<vmem>>) semaphore(%arg7 : memref<!tpu.dma_semaphore, #tpu.memory_space<semaphore_mem>>)
    %dma_wait3A = arith.constant 0 : i32
    %dma_wait3A_5 = arith.constant 0 : i32
    %dma_wait3A_6 = tpu.memref_slice %arg2[%dma_wait3A, %dma_wait3A_5] : memref<100000x64xf32, #tpu.memory_space<hbm>> -> memref<100000x64xf32, #tpu.memory_space<hbm>>
    tpu.wait_indirect_dma semaphore(%arg7 : memref<!tpu.dma_semaphore, #tpu.memory_space<semaphore_mem>>) src(%dma_wait3A_6 : memref<100000x64xf32, #tpu.memory_space<hbm>>) dst(%arg6 : memref<512x64xf32, #tpu.memory_space<vmem>>)
    "tpu.region"() ({
      %run_scoped3A = tpu.sem_alloc : memref<!tpu.dma_semaphore, #tpu.memory_space<semaphore_mem>>
      %dma_start3A_7 = arith.constant 0 : i32
      %dma_start3A_8 = tpu.memref_slice %arg4[%mul3A_2, %dma_start3A_7] : memref<16384x64xf32, #tpu.memory_space<hbm>> -> memref<512x64xf32, #tpu.memory_space<hbm>>
      %dma_start3A_9 = arith.constant 0 : i32
      %dma_start3A_10 = tpu.memref_slice %arg4[%mul3A_2, %dma_start3A_9] : memref<16384x64xf32, #tpu.memory_space<hbm>> -> memref<512x64xf32, #tpu.memory_space<hbm>>
      tpu.enqueue_dma source(%arg6 : memref<512x64xf32, #tpu.memory_space<vmem>>) target(%dma_start3A_10 : memref<512x64xf32, #tpu.memory_space<hbm>>) target_semaphore(%run_scoped3A : memref<!tpu.dma_semaphore, #tpu.memory_space<semaphore_mem>>)
      %dma_wait3A_11 = arith.constant 0 : i32
      %dma_wait3A_12 = tpu.memref_slice %arg4[%mul3A_2, %dma_wait3A_11] : memref<16384x64xf32, #tpu.memory_space<hbm>> -> memref<512x64xf32, #tpu.memory_space<hbm>>
      %dma_wait3A_13 = arith.constant 0 : i32
      %dma_wait3A_14 = tpu.memref_slice %arg4[%mul3A_2, %dma_wait3A_13] : memref<16384x64xf32, #tpu.memory_space<hbm>> -> memref<512x64xf32, #tpu.memory_space<hbm>>
      tpu.wait_dma2 semaphore(%run_scoped3A : memref<!tpu.dma_semaphore, #tpu.memory_space<semaphore_mem>>) src(%arg6 : memref<512x64xf32, #tpu.memory_space<vmem>>) dst(%dma_wait3A_14 : memref<512x64xf32, #tpu.memory_space<hbm>>)
      tpu.yield
    }) : () -> ()
    return
  }
}

module attributes {stable_mosaic.version = 14 : i64} {
  func.func @_dense_body(%arg0: i32, %arg1: memref<1024x64xf32, #tpu.memory_space<vmem>>, %arg2: memref<4000x64xf32, #tpu.memory_space<vmem>>, %arg3: memref<1x1xf32, #tpu.memory_space<smem>>, %arg4: memref<4000x64xf32, #tpu.memory_space<vmem>>, %arg5: memref<1024x64xbf16, #tpu.memory_space<vmem>>) attributes {dimension_semantics = [#tpu.dimension_semantics<arbitrary>], iteration_bounds = array<i64: 25>, scalar_prefetch = 0 : i64, scratch_operands = 1 : i64, tpu.core_type = #tpu.core_type<tc>, window_params = [{pipeline_mode = #tpu.pipeline_mode<synchronous>, transform_indices = @transform_0, window_bounds = array<i64: 1024, 64>}, {transform_indices = @transform_1, window_bounds = array<i64: 4000, 64>}, {transform_indices = @transform_2, window_bounds = array<i64: 1, 1>}, {transform_indices = @transform_3, window_bounds = array<i64: 4000, 64>}]} {
    %eq3A = arith.constant 0 : i32
    %eq3A_0 = arith.cmpi eq, %arg0, %eq3A : i32
    %convert_element_type3A = arith.extui %eq3A_0 : i1 to i32
    %cond3A = arith.constant 0 : i32
    %cond3A_1 = arith.cmpi ne, %convert_element_type3A, %cond3A : i32
    scf.if %cond3A_1 {
      %get3A_37 = arith.constant 0 : index
      %get3A_38 = arith.constant 0 : index
      %get3A_39 = vector.load %arg1[%get3A_37, %get3A_38] : memref<1024x64xf32, #tpu.memory_space<vmem>>, vector<1024x64xf32>
      %mul3A_40 = arith.mulf %get3A_39, %get3A_39 : vector<1024x64xf32>
      %reduce_sum3A_41 = arith.constant dense<0.000000e+00> : vector<1024xf32>
      %reduce_sum3A_42 = vector.multi_reduction <add>, %mul3A_40, %reduce_sum3A_41 [1] : vector<1024x64xf32> to vector<1024xf32>
      %broadcast_in_dim3A_43 = vector.shape_cast %reduce_sum3A_42 : vector<1024xf32> to vector<1024x1xf32>
      %max3A_44 = arith.constant 1.000000e-24 : f32
      %max3A_45 = vector.broadcast %max3A_44 : f32 to vector<1024x1xf32>
      %max3A_46 = arith.maximumf %broadcast_in_dim3A_43, %max3A_45 : vector<1024x1xf32>
      %rsqrt3A_47 = math.rsqrt %max3A_46 : vector<1024x1xf32>
      %mul3A_48 = arith.constant 72.1347503 : f32
      %mul3A_49 = vector.broadcast %mul3A_48 : f32 to vector<1024x1xf32>
      %mul3A_50 = arith.mulf %mul3A_49, %rsqrt3A_47 : vector<1024x1xf32>
      %mul3A_51 = vector.broadcast %mul3A_50 : vector<1024x1xf32> to vector<1024x64xf32>
      %mul3A_52 = arith.mulf %get3A_39, %mul3A_51 : vector<1024x64xf32>
      %convert_element_type3A_53 = arith.truncf %mul3A_52 : vector<1024x64xf32> to vector<1024x64xbf16>
      %swap3A_54 = arith.constant 0 : index
      %swap3A_55 = arith.constant 0 : index
      %swap3A_56 = vector.load %arg5[%swap3A_54, %swap3A_55] : memref<1024x64xbf16, #tpu.memory_space<vmem>>, vector<1024x64xbf16>
      tpu.vector_store %arg5[%swap3A_54, %swap3A_55], %convert_element_type3A_53 {strides = array<i32>} : memref<1024x64xbf16, #tpu.memory_space<vmem>>, vector<1024x64xbf16>,
      %swap3A_57 = arith.constant 0.000000e+00 : f32
      %swap3A_58 = arith.constant 0 : index
      %swap3A_59 = arith.constant 0 : index
      %swap3A_60 = memref.load %arg3[%swap3A_58, %swap3A_59] : memref<1x1xf32, #tpu.memory_space<smem>>
      memref.store %swap3A_57, %arg3[%swap3A_58, %swap3A_59] : memref<1x1xf32, #tpu.memory_space<smem>>
    } else {
    }
    %get3A = arith.constant 0 : index
    %get3A_2 = arith.constant 0 : index
    %get3A_3 = vector.load %arg2[%get3A, %get3A_2] : memref<4000x64xf32, #tpu.memory_space<vmem>>, vector<4000x64xf32>
    %mul3A = arith.mulf %get3A_3, %get3A_3 : vector<4000x64xf32>
    %reduce_sum3A = arith.constant dense<0.000000e+00> : vector<4000xf32>
    %reduce_sum3A_4 = vector.multi_reduction <add>, %mul3A, %reduce_sum3A [1] : vector<4000x64xf32> to vector<4000xf32>
    %broadcast_in_dim3A = vector.shape_cast %reduce_sum3A_4 : vector<4000xf32> to vector<4000x1xf32>
    %max3A = arith.constant 1.000000e-24 : f32
    %max3A_5 = vector.broadcast %max3A : f32 to vector<4000x1xf32>
    %max3A_6 = arith.maximumf %broadcast_in_dim3A, %max3A_5 : vector<4000x1xf32>
    %rsqrt3A = math.rsqrt %max3A_6 : vector<4000x1xf32>
    %mul3A_7 = vector.broadcast %rsqrt3A : vector<4000x1xf32> to vector<4000x64xf32>
    %mul3A_8 = arith.mulf %get3A_3, %mul3A_7 : vector<4000x64xf32>
    %convert_element_type3A_9 = arith.truncf %mul3A_8 : vector<4000x64xf32> to vector<4000x64xbf16>
    %swap3A = arith.constant 0 : index
    %swap3A_10 = arith.constant 0 : index
    %swap3A_11 = vector.load %arg4[%swap3A, %swap3A_10] : memref<4000x64xf32, #tpu.memory_space<vmem>>, vector<4000x64xf32>
    tpu.vector_store %arg4[%swap3A, %swap3A_10], %mul3A_8 {strides = array<i32>} : memref<4000x64xf32, #tpu.memory_space<vmem>>, vector<4000x64xf32>,
    %get3A_12 = arith.constant 0 : index
    %get3A_13 = arith.constant 0 : index
    %get3A_14 = vector.load %arg5[%get3A_12, %get3A_13] : memref<1024x64xbf16, #tpu.memory_space<vmem>>, vector<1024x64xbf16>
    %dot_general3A = arith.constant dense<0.000000e+00> : vector<1024x4000xf32>
    %dot_general3A_15 = tpu.matmul %get3A_14, %convert_element_type3A_9, %dot_general3A {dimension_numbers = #tpu.dot_dimension_numbers<[1], [1], [0], [0], [0, 0, 1, 0], [], []>, transpose_lhs_hint = false} : vector<1024x64xbf16>, vector<4000x64xbf16>, vector<1024x4000xf32> -> vector<1024x4000xf32>
    %min3A = arith.constant 6.200000e+01 : f32
    %min3A_16 = vector.broadcast %min3A : f32 to vector<1024x4000xf32>
    %min3A_17 = arith.minimumf %dot_general3A_15, %min3A_16 : vector<1024x4000xf32>
    %exp23A = math.exp2 %min3A_17 : vector<1024x4000xf32>
    %add3A = arith.constant 1.000000e+00 : f32
    %add3A_18 = vector.broadcast %add3A : f32 to vector<1024x4000xf32>
    %add3A_19 = arith.addf %add3A_18, %exp23A : vector<1024x4000xf32>
    %get3A_20 = arith.constant 0 : index
    %get3A_21 = arith.constant 0 : index
    %get3A_22 = memref.load %arg3[%get3A_20, %get3A_21] : memref<1x1xf32, #tpu.memory_space<smem>>
    %slice3A = vector.extract_strided_slice %add3A_19 {offsets = [0, 0], sizes = [1024, 2000], strides = [1, 1]} : vector<1024x4000xf32> to vector<1024x2000xf32>
    %slice3A_23 = vector.extract_strided_slice %add3A_19 {offsets = [0, 2000], sizes = [1024, 2000], strides = [1, 1]} : vector<1024x4000xf32> to vector<1024x2000xf32>
    %mul3A_24 = arith.mulf %slice3A, %slice3A_23 : vector<1024x2000xf32>
    %log3A = math.log %mul3A_24 : vector<1024x2000xf32>
    %log3A_25 = arith.constant 2.000000e+00 : f32
    %log3A_26 = math.log %log3A_25 : f32
    %div3A = vector.broadcast %log3A_26 : f32 to vector<1024x2000xf32>
    %div3A_27 = arith.divf %log3A, %div3A : vector<1024x2000xf32>
    %reduce_sum3A_28 = vector.shape_cast %div3A_27 : vector<1024x2000xf32> to vector<1x1024x2000xf32>
    %reduce_sum3A_29 = arith.constant dense<0.000000e+00> : vector<1xf32>
    %reduce_sum3A_30 = vector.multi_reduction <add>, %reduce_sum3A_28, %reduce_sum3A_29 [1, 2] : vector<1x1024x2000xf32> to vector<1xf32>
    %reduce_sum3A_31 = vector.shape_cast %reduce_sum3A_30 : vector<1xf32> to vector<1x1x1xf32>
    %reduce_sum3A_32 = vector.extract %reduce_sum3A_31[0, 0, 0] : f32 from vector<1x1x1xf32>
    %add3A_33 = arith.addf %get3A_22, %reduce_sum3A_32 : f32
    %swap3A_34 = arith.constant 0 : index
    %swap3A_35 = arith.constant 0 : index
    %swap3A_36 = memref.load %arg3[%swap3A_34, %swap3A_35] : memref<1x1xf32, #tpu.memory_space<smem>>
    memref.store %add3A_33, %arg3[%swap3A_34, %swap3A_35] : memref<1x1xf32, #tpu.memory_space<smem>>
    return
  }
  func.func @transform_0(%arg0: i32) -> (i32, i32) {
    %c0_i32 = arith.constant 0 : i32
    %c0_i32_0 = arith.constant 0 : i32
    %c0_i32_1 = arith.constant 0 : i32
    return %c0_i32, %c0_i32_0 : i32, i32
  }
  func.func @transform_1(%arg0: i32) -> (i32, i32) {
    %c0_i32 = arith.constant 0 : i32
    %c0_i32_0 = arith.constant 0 : i32
    return %arg0, %c0_i32 : i32, i32
  }
  func.func @transform_2(%arg0: i32) -> (i32, i32) {
    %c0_i32 = arith.constant 0 : i32
    %c0_i32_0 = arith.constant 0 : i32
    %c0_i32_1 = arith.constant 0 : i32
    return %c0_i32, %c0_i32_0 : i32, i32
  }
  func.func @transform_3(%arg0: i32) -> (i32, i32) {
    %c0_i32 = arith.constant 0 : i32
    %c0_i32_0 = arith.constant 0 : i32
    return %arg0, %c0_i32 : i32, i32
  }
}

module attributes {stable_mosaic.version = 14 : i64} {
  func.func @_finish_body(%arg0: memref<1024x64xf32, #tpu.memory_space<vmem>>, %arg1: memref<16384x64xf32, #tpu.memory_space<vmem>>, %arg2: memref<1024x16xf32, #tpu.memory_space<vmem>>, %arg3: memref<1x1xf32, #tpu.memory_space<smem>>, %arg4: memref<1x1xf32, #tpu.memory_space<smem>>) attributes {dimension_semantics = [], scalar_prefetch = 0 : i64, scratch_operands = 0 : i64, tpu.core_type = #tpu.core_type<tc>} {
    %get3A = arith.constant 0 : index
    %get3A_0 = arith.constant 0 : index
    %get3A_1 = vector.load %arg0[%get3A, %get3A_0] : memref<1024x64xf32, #tpu.memory_space<vmem>>, vector<1024x64xf32>
    %mul3A = arith.mulf %get3A_1, %get3A_1 : vector<1024x64xf32>
    %reduce_sum3A = arith.constant dense<0.000000e+00> : vector<1024xf32>
    %reduce_sum3A_2 = vector.multi_reduction <add>, %mul3A, %reduce_sum3A [1] : vector<1024x64xf32> to vector<1024xf32>
    %broadcast_in_dim3A = vector.shape_cast %reduce_sum3A_2 : vector<1024xf32> to vector<1024x1xf32>
    %max3A = arith.constant 1.000000e-24 : f32
    %max3A_3 = vector.broadcast %max3A : f32 to vector<1024x1xf32>
    %max3A_4 = arith.maximumf %broadcast_in_dim3A, %max3A_3 : vector<1024x1xf32>
    %rsqrt3A = math.rsqrt %max3A_4 : vector<1024x1xf32>
    %get3A_5 = arith.constant 0 : index
    %get3A_6 = arith.constant 0 : index
    %get3A_7 = vector.load %arg1[%get3A_5, %get3A_6] : memref<16384x64xf32, #tpu.memory_space<vmem>>, vector<1024x64xf32>
    %mul3A_8 = arith.mulf %get3A_7, %get3A_1 : vector<1024x64xf32>
    %reduce_sum3A_9 = arith.constant dense<0.000000e+00> : vector<1024xf32>
    %reduce_sum3A_10 = vector.multi_reduction <add>, %mul3A_8, %reduce_sum3A_9 [1] : vector<1024x64xf32> to vector<1024xf32>
    %broadcast_in_dim3A_11 = vector.shape_cast %reduce_sum3A_10 : vector<1024xf32> to vector<1024x1xf32>
    %get3A_12 = arith.constant 0 : index
    %get3A_13 = arith.constant 0 : index
    %get3A_14 = vector.load %arg2[%get3A_12, %get3A_13] : memref<1024x16xf32, #tpu.memory_space<vmem>>, vector<1024x1xf32>
    %mul3A_15 = arith.mulf %get3A_14, %broadcast_in_dim3A_11 : vector<1024x1xf32>
    %mul3A_16 = arith.mulf %mul3A_15, %rsqrt3A : vector<1024x1xf32>
    %reduce_sum3A_17 = vector.shape_cast %mul3A_16 : vector<1024x1xf32> to vector<1x1024x1xf32>
    %reduce_sum3A_18 = arith.constant dense<0.000000e+00> : vector<1xf32>
    %reduce_sum3A_19 = vector.multi_reduction <add>, %reduce_sum3A_17, %reduce_sum3A_18 [1, 2] : vector<1x1024x1xf32> to vector<1xf32>
    %reduce_sum3A_20 = vector.shape_cast %reduce_sum3A_19 : vector<1xf32> to vector<1x1x1xf32>
    %reduce_sum3A_21 = vector.extract %reduce_sum3A_20[0, 0, 0] : f32 from vector<1x1x1xf32>
    %add3A = arith.constant 0.000000e+00 : f32
    %add3A_22 = arith.addf %add3A, %reduce_sum3A_21 : f32
    %get3A_23 = arith.constant 1024 : index
    %get3A_24 = arith.constant 0 : index
    %get3A_25 = vector.load %arg1[%get3A_23, %get3A_24] : memref<16384x64xf32, #tpu.memory_space<vmem>>, vector<1024x64xf32>
    %mul3A_26 = arith.mulf %get3A_25, %get3A_1 : vector<1024x64xf32>
    %reduce_sum3A_27 = arith.constant dense<0.000000e+00> : vector<1024xf32>
    %reduce_sum3A_28 = vector.multi_reduction <add>, %mul3A_26, %reduce_sum3A_27 [1] : vector<1024x64xf32> to vector<1024xf32>
    %broadcast_in_dim3A_29 = vector.shape_cast %reduce_sum3A_28 : vector<1024xf32> to vector<1024x1xf32>
    %get3A_30 = arith.constant 0 : index
    %get3A_31 = arith.constant 1 : index
    %get3A_32 = vector.load %arg2[%get3A_30, %get3A_31] : memref<1024x16xf32, #tpu.memory_space<vmem>>, vector<1024x1xf32>
    %mul3A_33 = arith.mulf %get3A_32, %broadcast_in_dim3A_29 : vector<1024x1xf32>
    %mul3A_34 = arith.mulf %mul3A_33, %rsqrt3A : vector<1024x1xf32>
    %reduce_sum3A_35 = vector.shape_cast %mul3A_34 : vector<1024x1xf32> to vector<1x1024x1xf32>
    %reduce_sum3A_36 = arith.constant dense<0.000000e+00> : vector<1xf32>
    %reduce_sum3A_37 = vector.multi_reduction <add>, %reduce_sum3A_35, %reduce_sum3A_36 [1, 2] : vector<1x1024x1xf32> to vector<1xf32>
    %reduce_sum3A_38 = vector.shape_cast %reduce_sum3A_37 : vector<1xf32> to vector<1x1x1xf32>
    %reduce_sum3A_39 = vector.extract %reduce_sum3A_38[0, 0, 0] : f32 from vector<1x1x1xf32>
    %add3A_40 = arith.addf %add3A_22, %reduce_sum3A_39 : f32
    %get3A_41 = arith.constant 2048 : index
    %get3A_42 = arith.constant 0 : index
    %get3A_43 = vector.load %arg1[%get3A_41, %get3A_42] : memref<16384x64xf32, #tpu.memory_space<vmem>>, vector<1024x64xf32>
    %mul3A_44 = arith.mulf %get3A_43, %get3A_1 : vector<1024x64xf32>
    %reduce_sum3A_45 = arith.constant dense<0.000000e+00> : vector<1024xf32>
    %reduce_sum3A_46 = vector.multi_reduction <add>, %mul3A_44, %reduce_sum3A_45 [1] : vector<1024x64xf32> to vector<1024xf32>
    %broadcast_in_dim3A_47 = vector.shape_cast %reduce_sum3A_46 : vector<1024xf32> to vector<1024x1xf32>
    %get3A_48 = arith.constant 0 : index
    %get3A_49 = arith.constant 2 : index
    %get3A_50 = vector.load %arg2[%get3A_48, %get3A_49] : memref<1024x16xf32, #tpu.memory_space<vmem>>, vector<1024x1xf32>
    %mul3A_51 = arith.mulf %get3A_50, %broadcast_in_dim3A_47 : vector<1024x1xf32>
    %mul3A_52 = arith.mulf %mul3A_51, %rsqrt3A : vector<1024x1xf32>
    %reduce_sum3A_53 = vector.shape_cast %mul3A_52 : vector<1024x1xf32> to vector<1x1024x1xf32>
    %reduce_sum3A_54 = arith.constant dense<0.000000e+00> : vector<1xf32>
    %reduce_sum3A_55 = vector.multi_reduction <add>, %reduce_sum3A_53, %reduce_sum3A_54 [1, 2] : vector<1x1024x1xf32> to vector<1xf32>
    %reduce_sum3A_56 = vector.shape_cast %reduce_sum3A_55 : vector<1xf32> to vector<1x1x1xf32>
    %reduce_sum3A_57 = vector.extract %reduce_sum3A_56[0, 0, 0] : f32 from vector<1x1x1xf32>
    %add3A_58 = arith.addf %add3A_40, %reduce_sum3A_57 : f32
    %get3A_59 = arith.constant 3072 : index
    %get3A_60 = arith.constant 0 : index
    %get3A_61 = vector.load %arg1[%get3A_59, %get3A_60] : memref<16384x64xf32, #tpu.memory_space<vmem>>, vector<1024x64xf32>
    %mul3A_62 = arith.mulf %get3A_61, %get3A_1 : vector<1024x64xf32>
    %reduce_sum3A_63 = arith.constant dense<0.000000e+00> : vector<1024xf32>
    %reduce_sum3A_64 = vector.multi_reduction <add>, %mul3A_62, %reduce_sum3A_63 [1] : vector<1024x64xf32> to vector<1024xf32>
    %broadcast_in_dim3A_65 = vector.shape_cast %reduce_sum3A_64 : vector<1024xf32> to vector<1024x1xf32>
    %get3A_66 = arith.constant 0 : index
    %get3A_67 = arith.constant 3 : index
    %get3A_68 = vector.load %arg2[%get3A_66, %get3A_67] : memref<1024x16xf32, #tpu.memory_space<vmem>>, vector<1024x1xf32>
    %mul3A_69 = arith.mulf %get3A_68, %broadcast_in_dim3A_65 : vector<1024x1xf32>
    %mul3A_70 = arith.mulf %mul3A_69, %rsqrt3A : vector<1024x1xf32>
    %reduce_sum3A_71 = vector.shape_cast %mul3A_70 : vector<1024x1xf32> to vector<1x1024x1xf32>
    %reduce_sum3A_72 = arith.constant dense<0.000000e+00> : vector<1xf32>
    %reduce_sum3A_73 = vector.multi_reduction <add>, %reduce_sum3A_71, %reduce_sum3A_72 [1, 2] : vector<1x1024x1xf32> to vector<1xf32>
    %reduce_sum3A_74 = vector.shape_cast %reduce_sum3A_73 : vector<1xf32> to vector<1x1x1xf32>
    %reduce_sum3A_75 = vector.extract %reduce_sum3A_74[0, 0, 0] : f32 from vector<1x1x1xf32>
    %add3A_76 = arith.addf %add3A_58, %reduce_sum3A_75 : f32
    %get3A_77 = arith.constant 4096 : index
    %get3A_78 = arith.constant 0 : index
    %get3A_79 = vector.load %arg1[%get3A_77, %get3A_78] : memref<16384x64xf32, #tpu.memory_space<vmem>>, vector<1024x64xf32>
    %mul3A_80 = arith.mulf %get3A_79, %get3A_1 : vector<1024x64xf32>
    %reduce_sum3A_81 = arith.constant dense<0.000000e+00> : vector<1024xf32>
    %reduce_sum3A_82 = vector.multi_reduction <add>, %mul3A_80, %reduce_sum3A_81 [1] : vector<1024x64xf32> to vector<1024xf32>
    %broadcast_in_dim3A_83 = vector.shape_cast %reduce_sum3A_82 : vector<1024xf32> to vector<1024x1xf32>
    %get3A_84 = arith.constant 0 : index
    %get3A_85 = arith.constant 4 : index
    %get3A_86 = vector.load %arg2[%get3A_84, %get3A_85] : memref<1024x16xf32, #tpu.memory_space<vmem>>, vector<1024x1xf32>
    %mul3A_87 = arith.mulf %get3A_86, %broadcast_in_dim3A_83 : vector<1024x1xf32>
    %mul3A_88 = arith.mulf %mul3A_87, %rsqrt3A : vector<1024x1xf32>
    %reduce_sum3A_89 = vector.shape_cast %mul3A_88 : vector<1024x1xf32> to vector<1x1024x1xf32>
    %reduce_sum3A_90 = arith.constant dense<0.000000e+00> : vector<1xf32>
    %reduce_sum3A_91 = vector.multi_reduction <add>, %reduce_sum3A_89, %reduce_sum3A_90 [1, 2] : vector<1x1024x1xf32> to vector<1xf32>
    %reduce_sum3A_92 = vector.shape_cast %reduce_sum3A_91 : vector<1xf32> to vector<1x1x1xf32>
    %reduce_sum3A_93 = vector.extract %reduce_sum3A_92[0, 0, 0] : f32 from vector<1x1x1xf32>
    %add3A_94 = arith.addf %add3A_76, %reduce_sum3A_93 : f32
    %get3A_95 = arith.constant 5120 : index
    %get3A_96 = arith.constant 0 : index
    %get3A_97 = vector.load %arg1[%get3A_95, %get3A_96] : memref<16384x64xf32, #tpu.memory_space<vmem>>, vector<1024x64xf32>
    %mul3A_98 = arith.mulf %get3A_97, %get3A_1 : vector<1024x64xf32>
    %reduce_sum3A_99 = arith.constant dense<0.000000e+00> : vector<1024xf32>
    %reduce_sum3A_100 = vector.multi_reduction <add>, %mul3A_98, %reduce_sum3A_99 [1] : vector<1024x64xf32> to vector<1024xf32>
    %broadcast_in_dim3A_101 = vector.shape_cast %reduce_sum3A_100 : vector<1024xf32> to vector<1024x1xf32>
    %get3A_102 = arith.constant 0 : index
    %get3A_103 = arith.constant 5 : index
    %get3A_104 = vector.load %arg2[%get3A_102, %get3A_103] : memref<1024x16xf32, #tpu.memory_space<vmem>>, vector<1024x1xf32>
    %mul3A_105 = arith.mulf %get3A_104, %broadcast_in_dim3A_101 : vector<1024x1xf32>
    %mul3A_106 = arith.mulf %mul3A_105, %rsqrt3A : vector<1024x1xf32>
    %reduce_sum3A_107 = vector.shape_cast %mul3A_106 : vector<1024x1xf32> to vector<1x1024x1xf32>
    %reduce_sum3A_108 = arith.constant dense<0.000000e+00> : vector<1xf32>
    %reduce_sum3A_109 = vector.multi_reduction <add>, %reduce_sum3A_107, %reduce_sum3A_108 [1, 2] : vector<1x1024x1xf32> to vector<1xf32>
    %reduce_sum3A_110 = vector.shape_cast %reduce_sum3A_109 : vector<1xf32> to vector<1x1x1xf32>
    %reduce_sum3A_111 = vector.extract %reduce_sum3A_110[0, 0, 0] : f32 from vector<1x1x1xf32>
    %add3A_112 = arith.addf %add3A_94, %reduce_sum3A_111 : f32
    %get3A_113 = arith.constant 6144 : index
    %get3A_114 = arith.constant 0 : index
    %get3A_115 = vector.load %arg1[%get3A_113, %get3A_114] : memref<16384x64xf32, #tpu.memory_space<vmem>>, vector<1024x64xf32>
    %mul3A_116 = arith.mulf %get3A_115, %get3A_1 : vector<1024x64xf32>
    %reduce_sum3A_117 = arith.constant dense<0.000000e+00> : vector<1024xf32>
    %reduce_sum3A_118 = vector.multi_reduction <add>, %mul3A_116, %reduce_sum3A_117 [1] : vector<1024x64xf32> to vector<1024xf32>
    %broadcast_in_dim3A_119 = vector.shape_cast %reduce_sum3A_118 : vector<1024xf32> to vector<1024x1xf32>
    %get3A_120 = arith.constant 0 : index
    %get3A_121 = arith.constant 6 : index
    %get3A_122 = vector.load %arg2[%get3A_120, %get3A_121] : memref<1024x16xf32, #tpu.memory_space<vmem>>, vector<1024x1xf32>
    %mul3A_123 = arith.mulf %get3A_122, %broadcast_in_dim3A_119 : vector<1024x1xf32>
    %mul3A_124 = arith.mulf %mul3A_123, %rsqrt3A : vector<1024x1xf32>
    %reduce_sum3A_125 = vector.shape_cast %mul3A_124 : vector<1024x1xf32> to vector<1x1024x1xf32>
    %reduce_sum3A_126 = arith.constant dense<0.000000e+00> : vector<1xf32>
    %reduce_sum3A_127 = vector.multi_reduction <add>, %reduce_sum3A_125, %reduce_sum3A_126 [1, 2] : vector<1x1024x1xf32> to vector<1xf32>
    %reduce_sum3A_128 = vector.shape_cast %reduce_sum3A_127 : vector<1xf32> to vector<1x1x1xf32>
    %reduce_sum3A_129 = vector.extract %reduce_sum3A_128[0, 0, 0] : f32 from vector<1x1x1xf32>
    %add3A_130 = arith.addf %add3A_112, %reduce_sum3A_129 : f32
    %get3A_131 = arith.constant 7168 : index
    %get3A_132 = arith.constant 0 : index
    %get3A_133 = vector.load %arg1[%get3A_131, %get3A_132] : memref<16384x64xf32, #tpu.memory_space<vmem>>, vector<1024x64xf32>
    %mul3A_134 = arith.mulf %get3A_133, %get3A_1 : vector<1024x64xf32>
    %reduce_sum3A_135 = arith.constant dense<0.000000e+00> : vector<1024xf32>
    %reduce_sum3A_136 = vector.multi_reduction <add>, %mul3A_134, %reduce_sum3A_135 [1] : vector<1024x64xf32> to vector<1024xf32>
    %broadcast_in_dim3A_137 = vector.shape_cast %reduce_sum3A_136 : vector<1024xf32> to vector<1024x1xf32>
    %get3A_138 = arith.constant 0 : index
    %get3A_139 = arith.constant 7 : index
    %get3A_140 = vector.load %arg2[%get3A_138, %get3A_139] : memref<1024x16xf32, #tpu.memory_space<vmem>>, vector<1024x1xf32>
    %mul3A_141 = arith.mulf %get3A_140, %broadcast_in_dim3A_137 : vector<1024x1xf32>
    %mul3A_142 = arith.mulf %mul3A_141, %rsqrt3A : vector<1024x1xf32>
    %reduce_sum3A_143 = vector.shape_cast %mul3A_142 : vector<1024x1xf32> to vector<1x1024x1xf32>
    %reduce_sum3A_144 = arith.constant dense<0.000000e+00> : vector<1xf32>
    %reduce_sum3A_145 = vector.multi_reduction <add>, %reduce_sum3A_143, %reduce_sum3A_144 [1, 2] : vector<1x1024x1xf32> to vector<1xf32>
    %reduce_sum3A_146 = vector.shape_cast %reduce_sum3A_145 : vector<1xf32> to vector<1x1x1xf32>
    %reduce_sum3A_147 = vector.extract %reduce_sum3A_146[0, 0, 0] : f32 from vector<1x1x1xf32>
    %add3A_148 = arith.addf %add3A_130, %reduce_sum3A_147 : f32
    %get3A_149 = arith.constant 8192 : index
    %get3A_150 = arith.constant 0 : index
    %get3A_151 = vector.load %arg1[%get3A_149, %get3A_150] : memref<16384x64xf32, #tpu.memory_space<vmem>>, vector<1024x64xf32>
    %mul3A_152 = arith.mulf %get3A_151, %get3A_1 : vector<1024x64xf32>
    %reduce_sum3A_153 = arith.constant dense<0.000000e+00> : vector<1024xf32>
    %reduce_sum3A_154 = vector.multi_reduction <add>, %mul3A_152, %reduce_sum3A_153 [1] : vector<1024x64xf32> to vector<1024xf32>
    %broadcast_in_dim3A_155 = vector.shape_cast %reduce_sum3A_154 : vector<1024xf32> to vector<1024x1xf32>
    %get3A_156 = arith.constant 0 : index
    %get3A_157 = arith.constant 8 : index
    %get3A_158 = vector.load %arg2[%get3A_156, %get3A_157] : memref<1024x16xf32, #tpu.memory_space<vmem>>, vector<1024x1xf32>
    %mul3A_159 = arith.mulf %get3A_158, %broadcast_in_dim3A_155 : vector<1024x1xf32>
    %mul3A_160 = arith.mulf %mul3A_159, %rsqrt3A : vector<1024x1xf32>
    %reduce_sum3A_161 = vector.shape_cast %mul3A_160 : vector<1024x1xf32> to vector<1x1024x1xf32>
    %reduce_sum3A_162 = arith.constant dense<0.000000e+00> : vector<1xf32>
    %reduce_sum3A_163 = vector.multi_reduction <add>, %reduce_sum3A_161, %reduce_sum3A_162 [1, 2] : vector<1x1024x1xf32> to vector<1xf32>
    %reduce_sum3A_164 = vector.shape_cast %reduce_sum3A_163 : vector<1xf32> to vector<1x1x1xf32>
    %reduce_sum3A_165 = vector.extract %reduce_sum3A_164[0, 0, 0] : f32 from vector<1x1x1xf32>
    %add3A_166 = arith.addf %add3A_148, %reduce_sum3A_165 : f32
    %get3A_167 = arith.constant 9216 : index
    %get3A_168 = arith.constant 0 : index
    %get3A_169 = vector.load %arg1[%get3A_167, %get3A_168] : memref<16384x64xf32, #tpu.memory_space<vmem>>, vector<1024x64xf32>
    %mul3A_170 = arith.mulf %get3A_169, %get3A_1 : vector<1024x64xf32>
    %reduce_sum3A_171 = arith.constant dense<0.000000e+00> : vector<1024xf32>
    %reduce_sum3A_172 = vector.multi_reduction <add>, %mul3A_170, %reduce_sum3A_171 [1] : vector<1024x64xf32> to vector<1024xf32>
    %broadcast_in_dim3A_173 = vector.shape_cast %reduce_sum3A_172 : vector<1024xf32> to vector<1024x1xf32>
    %get3A_174 = arith.constant 0 : index
    %get3A_175 = arith.constant 9 : index
    %get3A_176 = vector.load %arg2[%get3A_174, %get3A_175] : memref<1024x16xf32, #tpu.memory_space<vmem>>, vector<1024x1xf32>
    %mul3A_177 = arith.mulf %get3A_176, %broadcast_in_dim3A_173 : vector<1024x1xf32>
    %mul3A_178 = arith.mulf %mul3A_177, %rsqrt3A : vector<1024x1xf32>
    %reduce_sum3A_179 = vector.shape_cast %mul3A_178 : vector<1024x1xf32> to vector<1x1024x1xf32>
    %reduce_sum3A_180 = arith.constant dense<0.000000e+00> : vector<1xf32>
    %reduce_sum3A_181 = vector.multi_reduction <add>, %reduce_sum3A_179, %reduce_sum3A_180 [1, 2] : vector<1x1024x1xf32> to vector<1xf32>
    %reduce_sum3A_182 = vector.shape_cast %reduce_sum3A_181 : vector<1xf32> to vector<1x1x1xf32>
    %reduce_sum3A_183 = vector.extract %reduce_sum3A_182[0, 0, 0] : f32 from vector<1x1x1xf32>
    %add3A_184 = arith.addf %add3A_166, %reduce_sum3A_183 : f32
    %get3A_185 = arith.constant 10240 : index
    %get3A_186 = arith.constant 0 : index
    %get3A_187 = vector.load %arg1[%get3A_185, %get3A_186] : memref<16384x64xf32, #tpu.memory_space<vmem>>, vector<1024x64xf32>
    %mul3A_188 = arith.mulf %get3A_187, %get3A_1 : vector<1024x64xf32>
    %reduce_sum3A_189 = arith.constant dense<0.000000e+00> : vector<1024xf32>
    %reduce_sum3A_190 = vector.multi_reduction <add>, %mul3A_188, %reduce_sum3A_189 [1] : vector<1024x64xf32> to vector<1024xf32>
    %broadcast_in_dim3A_191 = vector.shape_cast %reduce_sum3A_190 : vector<1024xf32> to vector<1024x1xf32>
    %get3A_192 = arith.constant 0 : index
    %get3A_193 = arith.constant 10 : index
    %get3A_194 = vector.load %arg2[%get3A_192, %get3A_193] : memref<1024x16xf32, #tpu.memory_space<vmem>>, vector<1024x1xf32>
    %mul3A_195 = arith.mulf %get3A_194, %broadcast_in_dim3A_191 : vector<1024x1xf32>
    %mul3A_196 = arith.mulf %mul3A_195, %rsqrt3A : vector<1024x1xf32>
    %reduce_sum3A_197 = vector.shape_cast %mul3A_196 : vector<1024x1xf32> to vector<1x1024x1xf32>
    %reduce_sum3A_198 = arith.constant dense<0.000000e+00> : vector<1xf32>
    %reduce_sum3A_199 = vector.multi_reduction <add>, %reduce_sum3A_197, %reduce_sum3A_198 [1, 2] : vector<1x1024x1xf32> to vector<1xf32>
    %reduce_sum3A_200 = vector.shape_cast %reduce_sum3A_199 : vector<1xf32> to vector<1x1x1xf32>
    %reduce_sum3A_201 = vector.extract %reduce_sum3A_200[0, 0, 0] : f32 from vector<1x1x1xf32>
    %add3A_202 = arith.addf %add3A_184, %reduce_sum3A_201 : f32
    %get3A_203 = arith.constant 11264 : index
    %get3A_204 = arith.constant 0 : index
    %get3A_205 = vector.load %arg1[%get3A_203, %get3A_204] : memref<16384x64xf32, #tpu.memory_space<vmem>>, vector<1024x64xf32>
    %mul3A_206 = arith.mulf %get3A_205, %get3A_1 : vector<1024x64xf32>
    %reduce_sum3A_207 = arith.constant dense<0.000000e+00> : vector<1024xf32>
    %reduce_sum3A_208 = vector.multi_reduction <add>, %mul3A_206, %reduce_sum3A_207 [1] : vector<1024x64xf32> to vector<1024xf32>
    %broadcast_in_dim3A_209 = vector.shape_cast %reduce_sum3A_208 : vector<1024xf32> to vector<1024x1xf32>
    %get3A_210 = arith.constant 0 : index
    %get3A_211 = arith.constant 11 : index
    %get3A_212 = vector.load %arg2[%get3A_210, %get3A_211] : memref<1024x16xf32, #tpu.memory_space<vmem>>, vector<1024x1xf32>
    %mul3A_213 = arith.mulf %get3A_212, %broadcast_in_dim3A_209 : vector<1024x1xf32>
    %mul3A_214 = arith.mulf %mul3A_213, %rsqrt3A : vector<1024x1xf32>
    %reduce_sum3A_215 = vector.shape_cast %mul3A_214 : vector<1024x1xf32> to vector<1x1024x1xf32>
    %reduce_sum3A_216 = arith.constant dense<0.000000e+00> : vector<1xf32>
    %reduce_sum3A_217 = vector.multi_reduction <add>, %reduce_sum3A_215, %reduce_sum3A_216 [1, 2] : vector<1x1024x1xf32> to vector<1xf32>
    %reduce_sum3A_218 = vector.shape_cast %reduce_sum3A_217 : vector<1xf32> to vector<1x1x1xf32>
    %reduce_sum3A_219 = vector.extract %reduce_sum3A_218[0, 0, 0] : f32 from vector<1x1x1xf32>
    %add3A_220 = arith.addf %add3A_202, %reduce_sum3A_219 : f32
    %get3A_221 = arith.constant 12288 : index
    %get3A_222 = arith.constant 0 : index
    %get3A_223 = vector.load %arg1[%get3A_221, %get3A_222] : memref<16384x64xf32, #tpu.memory_space<vmem>>, vector<1024x64xf32>
    %mul3A_224 = arith.mulf %get3A_223, %get3A_1 : vector<1024x64xf32>
    %reduce_sum3A_225 = arith.constant dense<0.000000e+00> : vector<1024xf32>
    %reduce_sum3A_226 = vector.multi_reduction <add>, %mul3A_224, %reduce_sum3A_225 [1] : vector<1024x64xf32> to vector<1024xf32>
    %broadcast_in_dim3A_227 = vector.shape_cast %reduce_sum3A_226 : vector<1024xf32> to vector<1024x1xf32>
    %get3A_228 = arith.constant 0 : index
    %get3A_229 = arith.constant 12 : index
    %get3A_230 = vector.load %arg2[%get3A_228, %get3A_229] : memref<1024x16xf32, #tpu.memory_space<vmem>>, vector<1024x1xf32>
    %mul3A_231 = arith.mulf %get3A_230, %broadcast_in_dim3A_227 : vector<1024x1xf32>
    %mul3A_232 = arith.mulf %mul3A_231, %rsqrt3A : vector<1024x1xf32>
    %reduce_sum3A_233 = vector.shape_cast %mul3A_232 : vector<1024x1xf32> to vector<1x1024x1xf32>
    %reduce_sum3A_234 = arith.constant dense<0.000000e+00> : vector<1xf32>
    %reduce_sum3A_235 = vector.multi_reduction <add>, %reduce_sum3A_233, %reduce_sum3A_234 [1, 2] : vector<1x1024x1xf32> to vector<1xf32>
    %reduce_sum3A_236 = vector.shape_cast %reduce_sum3A_235 : vector<1xf32> to vector<1x1x1xf32>
    %reduce_sum3A_237 = vector.extract %reduce_sum3A_236[0, 0, 0] : f32 from vector<1x1x1xf32>
    %add3A_238 = arith.addf %add3A_220, %reduce_sum3A_237 : f32
    %get3A_239 = arith.constant 13312 : index
    %get3A_240 = arith.constant 0 : index
    %get3A_241 = vector.load %arg1[%get3A_239, %get3A_240] : memref<16384x64xf32, #tpu.memory_space<vmem>>, vector<1024x64xf32>
    %mul3A_242 = arith.mulf %get3A_241, %get3A_1 : vector<1024x64xf32>
    %reduce_sum3A_243 = arith.constant dense<0.000000e+00> : vector<1024xf32>
    %reduce_sum3A_244 = vector.multi_reduction <add>, %mul3A_242, %reduce_sum3A_243 [1] : vector<1024x64xf32> to vector<1024xf32>
    %broadcast_in_dim3A_245 = vector.shape_cast %reduce_sum3A_244 : vector<1024xf32> to vector<1024x1xf32>
    %get3A_246 = arith.constant 0 : index
    %get3A_247 = arith.constant 13 : index
    %get3A_248 = vector.load %arg2[%get3A_246, %get3A_247] : memref<1024x16xf32, #tpu.memory_space<vmem>>, vector<1024x1xf32>
    %mul3A_249 = arith.mulf %get3A_248, %broadcast_in_dim3A_245 : vector<1024x1xf32>
    %mul3A_250 = arith.mulf %mul3A_249, %rsqrt3A : vector<1024x1xf32>
    %reduce_sum3A_251 = vector.shape_cast %mul3A_250 : vector<1024x1xf32> to vector<1x1024x1xf32>
    %reduce_sum3A_252 = arith.constant dense<0.000000e+00> : vector<1xf32>
    %reduce_sum3A_253 = vector.multi_reduction <add>, %reduce_sum3A_251, %reduce_sum3A_252 [1, 2] : vector<1x1024x1xf32> to vector<1xf32>
    %reduce_sum3A_254 = vector.shape_cast %reduce_sum3A_253 : vector<1xf32> to vector<1x1x1xf32>
    %reduce_sum3A_255 = vector.extract %reduce_sum3A_254[0, 0, 0] : f32 from vector<1x1x1xf32>
    %add3A_256 = arith.addf %add3A_238, %reduce_sum3A_255 : f32
    %get3A_257 = arith.constant 14336 : index
    %get3A_258 = arith.constant 0 : index
    %get3A_259 = vector.load %arg1[%get3A_257, %get3A_258] : memref<16384x64xf32, #tpu.memory_space<vmem>>, vector<1024x64xf32>
    %mul3A_260 = arith.mulf %get3A_259, %get3A_1 : vector<1024x64xf32>
    %reduce_sum3A_261 = arith.constant dense<0.000000e+00> : vector<1024xf32>
    %reduce_sum3A_262 = vector.multi_reduction <add>, %mul3A_260, %reduce_sum3A_261 [1] : vector<1024x64xf32> to vector<1024xf32>
    %broadcast_in_dim3A_263 = vector.shape_cast %reduce_sum3A_262 : vector<1024xf32> to vector<1024x1xf32>
    %get3A_264 = arith.constant 0 : index
    %get3A_265 = arith.constant 14 : index
    %get3A_266 = vector.load %arg2[%get3A_264, %get3A_265] : memref<1024x16xf32, #tpu.memory_space<vmem>>, vector<1024x1xf32>
    %mul3A_267 = arith.mulf %get3A_266, %broadcast_in_dim3A_263 : vector<1024x1xf32>
    %mul3A_268 = arith.mulf %mul3A_267, %rsqrt3A : vector<1024x1xf32>
    %reduce_sum3A_269 = vector.shape_cast %mul3A_268 : vector<1024x1xf32> to vector<1x1024x1xf32>
    %reduce_sum3A_270 = arith.constant dense<0.000000e+00> : vector<1xf32>
    %reduce_sum3A_271 = vector.multi_reduction <add>, %reduce_sum3A_269, %reduce_sum3A_270 [1, 2] : vector<1x1024x1xf32> to vector<1xf32>
    %reduce_sum3A_272 = vector.shape_cast %reduce_sum3A_271 : vector<1xf32> to vector<1x1x1xf32>
    %reduce_sum3A_273 = vector.extract %reduce_sum3A_272[0, 0, 0] : f32 from vector<1x1x1xf32>
    %add3A_274 = arith.addf %add3A_256, %reduce_sum3A_273 : f32
    %get3A_275 = arith.constant 15360 : index
    %get3A_276 = arith.constant 0 : index
    %get3A_277 = vector.load %arg1[%get3A_275, %get3A_276] : memref<16384x64xf32, #tpu.memory_space<vmem>>, vector<1024x64xf32>
    %mul3A_278 = arith.mulf %get3A_277, %get3A_1 : vector<1024x64xf32>
    %reduce_sum3A_279 = arith.constant dense<0.000000e+00> : vector<1024xf32>
    %reduce_sum3A_280 = vector.multi_reduction <add>, %mul3A_278, %reduce_sum3A_279 [1] : vector<1024x64xf32> to vector<1024xf32>
    %broadcast_in_dim3A_281 = vector.shape_cast %reduce_sum3A_280 : vector<1024xf32> to vector<1024x1xf32>
    %get3A_282 = arith.constant 0 : index
    %get3A_283 = arith.constant 15 : index
    %get3A_284 = vector.load %arg2[%get3A_282, %get3A_283] : memref<1024x16xf32, #tpu.memory_space<vmem>>, vector<1024x1xf32>
    %mul3A_285 = arith.mulf %get3A_284, %broadcast_in_dim3A_281 : vector<1024x1xf32>
    %mul3A_286 = arith.mulf %mul3A_285, %rsqrt3A : vector<1024x1xf32>
    %reduce_sum3A_287 = vector.shape_cast %mul3A_286 : vector<1024x1xf32> to vector<1x1024x1xf32>
    %reduce_sum3A_288 = arith.constant dense<0.000000e+00> : vector<1xf32>
    %reduce_sum3A_289 = vector.multi_reduction <add>, %reduce_sum3A_287, %reduce_sum3A_288 [1, 2] : vector<1x1024x1xf32> to vector<1xf32>
    %reduce_sum3A_290 = vector.shape_cast %reduce_sum3A_289 : vector<1xf32> to vector<1x1x1xf32>
    %reduce_sum3A_291 = vector.extract %reduce_sum3A_290[0, 0, 0] : f32 from vector<1x1x1xf32>
    %add3A_292 = arith.addf %add3A_274, %reduce_sum3A_291 : f32
    %get3A_293 = arith.constant 0 : index
    %get3A_294 = arith.constant 0 : index
    %get3A_295 = memref.load %arg3[%get3A_293, %get3A_294] : memref<1x1xf32, #tpu.memory_space<smem>>
    %mul3A_296 = arith.constant 0.693147182 : f32
    %mul3A_297 = arith.mulf %get3A_295, %mul3A_296 : f32
    %mul3A_298 = arith.constant 5.000000e+01 : f32
    %mul3A_299 = arith.mulf %mul3A_298, %add3A_292 : f32
    %sub3A = arith.subf %mul3A_297, %mul3A_299 : f32
    %mul3A_300 = arith.constant 3.125000e-03 : f32
    %mul3A_301 = arith.mulf %sub3A, %mul3A_300 : f32
    %swap3A = arith.constant 0 : index
    %swap3A_302 = arith.constant 0 : index
    %swap3A_303 = memref.load %arg4[%swap3A, %swap3A_302] : memref<1x1xf32, #tpu.memory_space<smem>>
    memref.store %mul3A_301, %arg4[%swap3A, %swap3A_302] : memref<1x1xf32, #tpu.memory_space<smem>>
    return
  }
}

</mosaic_0001>

<sc_bundles>
// kernel: kernel.5.cloned.1.call-start
scs
__scs_entry_jumppad:
0x0: {  	(pc) =	sbr.rel $0x88, $3  }
0x1: {  	(tag) =	ssettag $0x0;
	lr =	simm.s32 $0x1  }
0x2: {  	[smem:$0x3F9E] =	sst lr;
	_ =	strace $0xD0000000  }
0x3: {  	_ = 	snop  }
0x4: {  	_ = 	snop  }
0x5: {  	_ = 	snop  }
0x6: {  	_ = 	snop  }
0x7: {  	_ = 	snop  }
__scs_overlays_trampoline_lowered:
0x8: {  	[smem:$0x3FAD] =	sst s0  }
0x9: {  	[smem:$0x3FAE] =	sst s1  }
0xa: {  	[smem:$0x3FAF] =	sst s2  }
0xb: {  	[smem:$0x3FB0] =	sst s3  }
0xc: {  	[smem:$0x3FB1] =	sst s4  }
0xd: {  	[smem:$0x3FB2] =	sst s5  }
0xe: {  	[smem:$0x3FB3] =	sst s6  }
0xf: {  	[smem:$0x3FB4] =	sst s7  }
0x10: {  	[smem:$0x3FB5] =	sst s8  }
0x11: {  	[smem:$0x3FB6] =	sst s9;
	s0 =	simm.s32 @!p0 $0x0  }
0x12: {  	s1 =	sld [smem:$0x3F9C];
	s0 =	simm.s32 @p0 $0x1  }
0x13: {  	[smem:$0x3FB7] =	sst s0;
	s0 =	simm.s32 @!p1 $0x0  }
0x14: {  	s2 =	sld [smem:$0x3F9B];
	s0 =	simm.s32 @p1 $0x1  }
0x15: {  	[smem:$0x3FB8] =	sst s0;
	s0 =	simm.s32 @!p2 $0x0  }
0x16: {  	s3 =	sld [smem:$0x3FDB];
	s0 =	simm.s32 @p2 $0x1  }
0x17: {  	s4 =	simm.s32 $0x1BF5;
	[smem:$0x3FBA] =	sst s0  }
0x18: {  	s0 =	sld [smem:$0x3F9D];
	_ =	swait.ge [sflag:s4], $0x0  }
0x19: {  	s7 =	sld [smem:$0x3F9E]  }
0x1a: {  	s8 =	sadd.s32 $0xFFFFE003, lr  }
0x1b: {  	s9 =	sadd.s32 $0xFFFFFEF7, lr;
	s5 =	simm.s32 $0xFFFFFFFF;
	p2 =	slt.u32 s8, $0xFFFFF086  }
0x1c: {  	p1 =	slt.u32 s9, $0xF7A;
	s5 =	simm.s32 @!p2 $0x0  }
0x1d: {  	s5 =	simm.s32 @p1 $0x1;
	p0 =	seq.s32 s7, s2  }
0x1e: {  	s7 =	smul.u32 @!p0 $0xF7A, s2;
	p2 =	seq.s32 @!p0 s5, $0x0  }
0x1f: {  	s9 =	smul.u32 $0xF7A, s1;
	s8 =	simm.s32 @!p0 $0x1BF5;
	p2 =	por !p2, p0  }
0x20: {  	[sflag:s8] =	ssyncset.s32 @!p0 $0xFFFFF086;
	s6 =	sadd.s32 @!p0 s3, s7;
	s7 =	simm.s32 @!p0 $0x108  }
0x21: {  	s3 =	sadd.s32 s3, s9;
	s6 =	sadd.s32 @!p0 $0x88, s6;
	s7 =	simm.s32 @p2 $0x1082  }
0x22: {  	[simem:s7], [sflag:s8] =	dma.local @!p0 [hbm:s6], $0xF7A  }
0x23: {  	s9 =	sor.u32 $0xD0000000, s2;
	s6 =	simm.s32 $0x108;
	_ =	swait.ge @!p0 [sflag:s8], $0x0  }
0x24: {  	s3 =	sadd.s32 $0x88, s3;
	s6 =	simm.s32 @!p1 $0x1082;
	[sflag:s4] =	ssyncset.s32 $0xFFFFF086  }
0x25: {  	[simem:s6], [sflag:s4] =	dma.local [hbm:s3], $0xF7A  }
0x26: {  	[smem:$0x3F9E] =	sst s1;
	(tag) =	ssettag s2;
	_ =	strace s9  }
0x27: {  	s1 =	sld [smem:$0x3FAE]  }
0x28: {  	s2 =	sld [smem:$0x3FAF]  }
0x29: {  	s4 =	sld [smem:$0x3FB1]  }
0x2a: {  	p0 =	seq.s32 s5, $0x0;
	s5 =	sld [smem:$0x3FB2]  }
0x2b: {  	s6 =	sld [smem:$0x3FB3]  }
0x2c: {  	s7 =	sld [smem:$0x3FB4]  }
0x2d: {  	s3 =	simm.s32 $0x108;
	s8 =	sld [smem:$0x3FB5]  }
0x2e: {  	s3 =	simm.s32 @!p0 $0x1082;
	s9 =	sld [smem:$0x3FB6]  }
0x2f: {  	lr =	sadd.s32 s0, s3;
	s0 =	sld [smem:$0x3FAD]  }
0x30: {  	s3 =	sld [smem:$0x3FB0]  }
0x31: {  	[smem:$0x3FB9] =	sst s10  }
0x32: {  	s10 =	sld [smem:$0x3FB7];
	_ =	sdelay $0x3  }
0x33: {  	p0 =	seq.s32 s10, $0x1;
	s10 =	sld [smem:$0x3FB9];
	_ =	sdelay $0x3  }
0x34: {  	[smem:$0x3FB9] =	sst s10  }
0x35: {  	s10 =	sld [smem:$0x3FB8];
	_ =	sdelay $0x3  }
0x36: {  	p1 =	seq.s32 s10, $0x1;
	s10 =	sld [smem:$0x3FB9];
	_ =	sdelay $0x3  }
0x37: {  	[smem:$0x3FB9] =	sst s10  }
0x38: {  	s10 =	sld [smem:$0x3FBA]  }
0x39: {  	_ = 	snop;
	(pc) =	sbr.ind lr, $3  }
0x3a: {  	_ = 	snop  }
0x3b: {  	_ = 	snop  }
0x3c: {  	p2 =	seq.s32 s10, $0x1;
	s10 =	sld [smem:$0x3FB9]  }
0x3d: {  	_ =	shalt  }
0x3e: {  	_ =	shalt  }
0x3f: {  	_ =	shalt  }
0x40: {  	_ =	shalt  }
0x41: {  	_ =	shalt  }
0x42: {  	_ =	shalt  }
0x43: {  	_ =	shalt  }
0x44: {  	_ =	shalt  }
0x45: {  	_ =	shalt  }
0x46: {  	_ =	shalt  }
0x47: {  	_ =	shalt  }
0x48: {  	_ =	shalt  }
0x49: {  	_ =	shalt  }
0x4a: {  	_ =	shalt  }
0x4b: {  	_ =	shalt  }
0x4c: {  	_ =	shalt  }
0x4d: {  	_ =	shalt  }
0x4e: {  	_ =	shalt  }
0x4f: {  	_ =	shalt  }
0x50: {  	_ =	shalt  }
0x51: {  	_ =	shalt  }
0x52: {  	_ =	shalt  }
0x53: {  	_ =	shalt  }
0x54: {  	_ =	shalt  }
0x55: {  	_ =	shalt  }
0x56: {  	_ =	shalt  }
0x57: {  	_ =	shalt  }
0x58: {  	_ =	shalt  }
0x59: {  	_ =	shalt  }
0x5a: {  	_ =	shalt  }
0x5b: {  	_ =	shalt  }
0x5c: {  	_ =	shalt  }
0x5d: {  	_ =	shalt  }
0x5e: {  	_ =	shalt  }
0x5f: {  	_ =	shalt  }
0x60: {  	_ =	shalt  }
0x61: {  	_ =	shalt  }
0x62: {  	_ =	shalt  }
0x63: {  	_ =	shalt  }
0x64: {  	_ =	shalt  }
0x65: {  	_ =	shalt  }
0x66: {  	_ =	shalt  }
0x67: {  	_ =	shalt  }
0x68: {  	_ =	shalt  }
0x69: {  	_ =	shalt  }
0x6a: {  	_ =	shalt  }
0x6b: {  	_ =	shalt  }
0x6c: {  	_ =	shalt  }
0x6d: {  	_ =	shalt  }
0x6e: {  	_ =	shalt  }
0x6f: {  	_ =	shalt  }
0x70: {  	_ =	shalt  }
0x71: {  	_ =	shalt  }
0x72: {  	_ =	shalt  }
0x73: {  	_ =	shalt  }
0x74: {  	_ =	shalt  }
0x75: {  	_ =	shalt  }
0x76: {  	_ =	shalt  }
0x77: {  	_ =	shalt  }
0x78: {  	_ =	shalt  }
0x79: {  	_ =	shalt  }
0x7a: {  	_ =	shalt  }
0x7b: {  	_ =	shalt  }
0x7c: {  	_ =	shalt  }
0x7d: {  	_ =	shalt  }
0x7e: {  	_ =	shalt  }
0x7f: {  	_ =	shalt  }
0x80: {  	_ =	shalt  }
0x81: {  	_ =	shalt  }
0x82: {  	_ =	shalt  }
0x83: {  	_ =	shalt  }
0x84: {  	_ =	shalt  }
0x85: {  	_ =	shalt  }
0x86: {  	_ =	shalt  }
0x87: {  	_ =	shalt  }
.Lfunc_end0:
.L_simem_size_0:
called_computation_lowered:
.L_overlay_start_0:
0x88: {  	s2 =	sld [smem:$0x3FD9]  }
0x89: {  	s3 =	sld [smem:$0x3FFE];
	_ =	sdelay $0x1  }
0x8a: {  	s1 =	srdreg.scid  }
0x8b: {  	s0 =	sand.u32 $0x1, s1  }
0x8c: {  	s16 =	sshll.u32 s0, $0xA;
	s2 =	sadd.s32 s3, s2  }
0x8d: {  	s2 =	sadd.s32 s2, s16  }
0x8e: {  	[smem:$0x3FC5] =	sst s2  }
0x8f: {  	_ = 	snop  }
0x90: {  	(tm) =	ssettm $0x1  }
0x91: {  	s17 =	sld [smem:$0x3FFB];
	_ =	sdelay $0x3  }
0x92: {  	_ =	strace s17  }
0x93: {  	s2 =	sld [smem:$0x3FFC];
	_ =	sdelay $0x3  }
0x94: {  	_ =	strace s2  }
0x95: {  	s2 =	sld [smem:$0x3FFD];
	_ =	sdelay $0x3  }
0x96: {  	_ =	strace s2  }
0x97: {  	_ =	strace $0x8FFFFFFF  }
0x98: {  	s18 =	sld [smem:$0x3FDB];
	_ =	sdelay $0x1  }
0x99: {  	s19 =	simm.s32 $_scs_section_size  }
0x9a: {  	s4 =	simm.s32 $_size__tile_overlayer_lowered;
	s5 =	simm.s32 $_tile_overlayer_lowered  }
0x9b: {  	s22 =	simm.s32 $0x1BFF;
	s21 =	sshll.u32 s5, $0x1;
	s2 =	sadd.s32 s19, s18  }
0x9c: {  	s6 =	simm.s32 $0x0;
	s20 =	sshll.u32 s4, $0x1;
	s4 =	sadd.s32 s21, s2  }
0x9d: {  	[timem:s6], [sflag:s22] =	dma.local [hbm:s4], s20  }
0x9e: {  	_ =	swait.ge [sflag:s22], s20  }
0x9f: {  	s3 =	ssub.s32 $0x0, s20;
	[sflag:s22] =	ssyncset.done $0x0  }
0xa0: {  	[sflag:s22] =	ssyncadd.s32 s3;
	_ =	sdelay $0x1  }
0xa1: {  	s23 =	simm.s32 $0x1B8B  }
0xa2: {  	_ =	swait.ge [sflag:s23], $0x1  }
0xa3: {  	[sflag:s23] =	ssyncset.done $0x0  }
0xa4: {  	s25 =	simm.s32 $0x1B8E;
	s24 =	sld [smem:$0x3FFE];
	[sflag:s23] =	ssyncadd.s32 $0xFFFFFFFF  }
0xa5: {  	s26 =	simm.s32 $execute0_lowered;
	[smem:$0x3FD2] =	sst s25  }
0xa6: {  	s4 =	sshll.u32 s26, $0x1;
	_ =	strace $0x80000046;
	[dreg:$0x1] =	wrdreg $0xFFFFFFFF  }
0xa7: {  	s28 =	simm.s32 $_size_execute0_lowered;
	s2 =	sadd.s32 s2, s4;
	[dreg:$0x0] =	wrdreg $0x0  }
0xa8: {  	s4 =	sshll.u32 s28, $0x1;
	[dreg:$0x2] =	wrdreg s2  }
0xa9: {  	[dreg:$0x3] =	wrdreg s4  }
0xaa: {  	[dreg:$0x4] =	wrdreg $0xC0  }
0xab: {  	_ =	task [dreg:s6], $0x5FFFF  }
0xac: {  	[dreg:$0x1] =	wrdreg $0xFFFFFFFF  }
0xad: {  	[dreg:$0x0] =	wrdreg $0x60  }
0xae: {  	[dreg:$0x2] =	wrdreg s24  }
0xaf: {  	[dreg:$0x3] =	wrdreg $0x9  }
0xb0: {  	_ =	task.clear_ibuf [dreg:s6], $0x4FFFF;
	_ =	strace $0x90000046  }
0xb1: {  	s29 =	simm.s32 $0x9;
	_ =	strace $0x80000048  }
0xb2: {  	_ =	swait.ge [sflag:s29], $0x1  }
0xb3: {  	[sflag:s29] =	ssyncadd.s32 $0xFFFFFFFF  }
0xb4: {  	_ =	strace $0x90000048  }
0xb5: {  	_ =	sfence  }
0xb6: {  	s30 =	sld [smem:$0x0];
	_ =	sdelay $0x2  }
0xb7: {  	s31 =	sshll.u32 s1, $0xD;
	s1 =	sshrl.u32 s1, $0x2  }
0xb8: {  	s3 =	sand.u32 $0x4000, s31;
	s1 =	sadd.s32 s1, s30  }
0xb9: {  	s0 =	sor.u32 s3, s0;
	s1 =	sshll.u32 s1, $0x11  }
0xba: {  	s0 =	sor.u32 s1, s0  }
0xbb: {  	s0 =	sadd.s32 $0x8F2B, s0  }
0xbc: {  	[sflag:s0] =	ssyncadd.remote.s32 $0x1  }
0xbd: {  	_ =	sfence.sel $0xFFFF  }
0xbe: {  	[dreg:$0x0] =	wrdreg $0xFFFFFFFF;
	(pc) =	sbr.abs _section_cstart, $3  }
0xbf: {  	[dreg:$0x1] =	wrdreg $0xFFFFFFFF  }
0xc0: {  	_ =	task.clear_ibuf [dreg:s6], $0x2FFFF;
	_ =	strace $0x9FFFFFFF  }
0xc1: {  	(tm) =	ssettm $0x7FFFFFFF  }
tec
execute0_lowered:
.L_overlay_start_1:
0x0: {  	(tag) =	ssettag $0x1  }
0x1: {  	s1 =	srdreg.scid  }
0x2: {  	s0 =	stileid.u32;
	s6 =	sand.u32 $0x1, s1  }
0x3: {  	s8 =	rddreg [dreg:$0x0];
	s30 =	sshll.u32 s0, $0xA;
	s2 =	sshll.u32 s6, $0x9  }
0x4: {  	s7 =	simm.s32 $0x1;
	s1 =	rddreg [dreg:$0x1];
	s9 =	sor.u32 s2, s30  }
0x5: {  	s5 =	sadd.s32 $0x400, s8;
	s2 =	simm.s32 $0x0;
	s3 =	sshrl.u32 s9, $0x3  }
0x6: {  	s10 =	ssub.s32 $0x2, s6;
	[smem:$0x7FF] =	sst s2;
	s3 =	sadd.s32 s3, s8  }
0x7: {  	_ =	strace $0x80000047;
	s4 =	sadd.s32 $0xC3A00, s3;
	s3 =	simm.s32 $0x2  }
0x8: {  	[tilespmem:s2], [sflag:$0x2] =	stream.linear.gather [hbm4b:s4+s2], $0x200, $0x38;
	[tilespmem:$0x8200] =	vst v63  }
0x9: {  	s6 =	simm.s32 $0x200;
	s11 =	sshrl.u32 s10, $0x1;
	_ =	swait.ge [sflag:s3], $0x200  }
0xa: {  	s9 =	sshll.u32 s9, $0x3;
	s31 =	ssub.s32 s10, s11;
	[sflag:s3] =	ssyncset.done $0x0  }
0xb: {  	s8 =	sadd.s32 s9, s8;
	s9 =	smax.u32 s31, $0x1;
	[sflag:s3] =	ssyncadd.s32 $0xFFFFFE00  }
0xc: {  	[tilespmem:s6], [sflag:$0x1] =	stream.indirect.gather [hbm4b:s5+s6], $0x40, s2, s6, $0xb8;
	[tilespmem:$0x8200] =	vst v63  }
0xd: {  	p0 =	sne.s32 s9, $0x1;
	_ =	swait.ge [sflag:s7], $0x8000  }
.Ltmp0:
0xe: {  	[sflag:s7] =	ssyncset.done $0x0;
	(pc) =	sbr.rel @!p0 .LBB2_2-.Ltmp0, $4  }
0xf: {  	s8 =	sadd.s32 $0xC4200, s8;
	[sflag:s7] =	ssyncadd.s32 $0xFFFF8000  }
0x10: {  	[hbm4b:s8+s2] =	stream.linear.scatter [tilespmem:s6], [sflag:$0x2], $0x8000, $0x38;
	[tilespmem:$0x8200] =	vst v63  }
0x11: {  	_ =	swait.ge [sflag:s3], $0x8000  }
0x12: {  	s9 =	sadd.s32 $0xFFFFFFFF, s9;
	[sflag:s3] =	ssyncset.done $0x0  }
.LBB2_1:
0x13: {  	p0 =	sne.s32 s9, $0x1;
	s9 =	sadd.s32 $0xFFFFFFFF, s9;
	[sflag:s3] =	ssyncadd.s32 $0xFFFF8000  }
0x14: {  	[tilespmem:s2], [sflag:$0x2] =	stream.linear.gather [hbm4b:s4+s2], $0x200, $0x38;
	[tilespmem:$0x8200] =	vst v63  }
0x15: {  	_ =	swait.ge [sflag:s3], $0x200  }
0x16: {  	[sflag:s3] =	ssyncset.done $0x0  }
0x17: {  	[sflag:s3] =	ssyncadd.s32 $0xFFFFFE00  }
0x18: {  	[tilespmem:s6], [sflag:$0x1] =	stream.indirect.gather [hbm4b:s5+s6], $0x40, s2, s6, $0xb8;
	[tilespmem:$0x8200] =	vst v63  }
0x19: {  	_ =	swait.ge [sflag:s7], $0x8000  }
.Ltmp1:
0x1a: {  	[sflag:s7] =	ssyncset.done $0x0;
	(pc) =	sbr.rel @p0 .LBB2_1-.Ltmp1, $4  }
0x1b: {  	[sflag:s7] =	ssyncadd.s32 $0xFFFF8000  }
0x1c: {  	[hbm4b:s8+s2] =	stream.linear.scatter [tilespmem:s6], [sflag:$0x2], $0x8000, $0x38;
	[tilespmem:$0x8200] =	vst v63  }
0x1d: {  	_ =	swait.ge [sflag:s3], $0x8000  }
0x1e: {  	[sflag:s3] =	ssyncset.done $0x0  }
.LBB2_2:
0x1f: {  	[sflag:s3] =	ssyncadd.s32 $0xFFFF8000  }
0x20: {  	_ =	sfence.sel $0x180000  }
0x21: {  	[bflag:$0x0] =	sbarrier.arrive $0xFFFF  }
0x22: {  	p0 =	sne.s32 s0, $0x0;
	_ =	strace $0x90000047  }
0x23: {  	s0 =	sadd.s32 @!p0 $0x100000, s1;
	[bflag:$0x2] =	sbarrier.arrive $0xFFFF  }
0x24: {  	[sflag:s0] =	ssyncadd.tile.s32 @!p0 $0x1;
	_ =	shalt  }
.Lfunc_end2:
_tile_overlayer_lowered:
.L_overlay_start_2:
0x25: {  	(tag) =	ssettag $0x2  }
0x26: {  	s0 =	rddreg [dreg:$0x0];
	s2 =	stileid.u32  }
0x27: {  	s1 =	rddreg [dreg:$0x1];
	p0 =	sne.s32 s2, $0x0  }
0x28: {  	s3 =	rddreg [dreg:$0x2];
	[bflag:$0x3] =	sbarrier.arrive $0xFFFF;
	s2 =	simm.s32 @!p0 $0x1C02  }
0x29: {  	[timem:s3], [sflag:s2] =	dma.local @!p0 [hbm:s0], s1  }
0x2a: {  	s0 =	simm.s32 @!p0 $0x2  }
0x2b: {  	_ =	swait.ge @!p0 [sflag:s0], s1  }
0x2c: {  	s1 =	ssub.s32 @!p0 $0x0, s1;
	[sflag:s0] =	ssyncset.done @!p0 $0x0  }
0x2d: {  	[sflag:s0] =	ssyncadd.s32 @!p0 s1  }
0x2e: {  	[bflag:$0x3] =	sbarrier.arrive $0xFFFF  }
0x2f: {  	_ =	shalt  }

</sc_bundles>
